<compile_context>
chip_gen: v7x
topology: tpu7x:2x2x1
jax: 0.10.2.dev20260603
libtpu: 0.0.44.dev20260713+nightly
codegen_flags: <defaults>
</compile_context>

<pallas_src>
import functools

import jax
import jax.numpy as jnp
from jax.experimental import pallas as pl
from jax.experimental.pallas import tpu as pltpu
from jax.experimental.pallas import tpu_sc as plsc

_VOCAB_PAD = 128
_FEAT_PAD = 256
_EMBED = 512
_SEQ = 20
_WINDOW = 128
_NW = 32
_NCHUNK = 4
_NSC = 1
_BM = 128


def _gather(table_pad, idx):
    n = idx.shape[0]
    per_w = n // _NW
    nsteps = per_w // _WINDOW
    mesh = plsc.VectorSubcoreMesh(core_axis_name="core", subcore_axis_name="subcore")

    @functools.partial(
        pl.kernel,
        out_type=jax.ShapeDtypeStruct((n, _FEAT_PAD // 2), jnp.int32),
        mesh=mesh,
        scratch_types=[
            pltpu.VMEM((per_w,), jnp.int32),
            pltpu.VMEM((_WINDOW, _FEAT_PAD // 2), jnp.int32),
            pltpu.VMEM((_WINDOW, _FEAT_PAD // 2), jnp.int32),
            pltpu.SemaphoreType.DMA,
            pltpu.SemaphoreType.DMA,
            pltpu.SemaphoreType.DMA,
            pltpu.SemaphoreType.DMA,
        ],
    )
    def k(t_hbm, i_hbm, o_hbm, idx_v, rows0, rows1, gs0, gs1, ss0, ss1):
        wid = jax.lax.axis_index("subcore") * 2 + jax.lax.axis_index("core")
        base = wid * per_w
        bufs = (rows0, rows1)
        gsems = (gs0, gs1)
        ssems = (ss0, ss1)

        pltpu.sync_copy(i_hbm.at[pl.ds(base, per_w)], idx_v)

        def issue_gather(step, b):
            src = t_hbm.at[idx_v.at[pl.ds(step * _WINDOW, _WINDOW)]]
            pltpu.async_copy(src, bufs[b], gsems[b])

        issue_gather(0, 0)
        issue_gather(1, 1)

        @pl.loop(0, nsteps, step=2)
        def _(g0):
            for b in range(2):
                g = g0 + b
                buf, gsem, ssem = bufs[b], gsems[b], ssems[b]
                pltpu.make_async_copy(
                    t_hbm.at[idx_v.at[pl.ds(0, _WINDOW)]], buf, gsem
                ).wait()
                dst = o_hbm.at[pl.ds(base + g * _WINDOW, _WINDOW)]
                pltpu.async_copy(buf, dst, ssem)
                pltpu.make_async_copy(buf, dst, ssem).wait()
                nxt = jnp.where(g + 2 < nsteps, g + 2, g + 2 - nsteps)
                issue_gather(nxt, b)

        for b in range(2):
            pltpu.make_async_copy(
                t_hbm.at[idx_v.at[pl.ds(0, _WINDOW)]], bufs[b], gsems[b]
            ).wait()

    return k(table_pad, idx)


def _proj_table_body(t_ref, w_ref, b_ref, o_ref):
    o_ref[...] = (
        jnp.dot(t_ref[...], w_ref[...], preferred_element_type=jnp.float32)
        + b_ref[...]
    )


def _onehot_body(idx_ref, ph_ref, pl_ref, o_ref):
    flat = idx_ref[...]
    oh = (
        jax.lax.broadcasted_iota(jnp.int32, (flat.shape[0], _VOCAB_PAD), 1)
        == flat
    ).astype(jnp.bfloat16)
    y = jnp.dot(oh, ph_ref[...], preferred_element_type=jnp.float32) + jnp.dot(
        oh, pl_ref[...], preferred_element_type=jnp.float32
    )
    o_ref[...] = y.reshape(o_ref.shape)


def _onehot_body_aliased(prev_ref, idx_ref, ph_ref, pl_ref, o_ref):
    del prev_ref
    _onehot_body(idx_ref, ph_ref, pl_ref, o_ref)


def _onehot_chunk(prev, idx2d, Ph, Pl, nb, chunk):
    spc = nb // _NCHUNK // _BM
    idx_spec = pl.BlockSpec(
        (_BM * _SEQ, 1), lambda j, c=chunk: (c * spc + j, 0)
    )
    p_spec = pl.BlockSpec((_VOCAB_PAD, _EMBED), lambda j: (0, 0))
    out_spec = pl.BlockSpec(
        (_BM, _SEQ, _EMBED), lambda j, c=chunk: (c * spc + j, 0, 0)
    )
    out_shape = jax.ShapeDtypeStruct((nb, _SEQ, _EMBED), jnp.float32)
    if prev is None:
        return pl.pallas_call(
            _onehot_body,
            grid=(spc,),
            in_specs=[idx_spec, p_spec, p_spec],
            out_specs=out_spec,
            out_shape=out_shape,
        )(idx2d, Ph, Pl)
    return pl.pallas_call(
        _onehot_body_aliased,
        grid=(spc,),
        in_specs=[pl.BlockSpec(memory_space=pl.ANY), idx_spec, p_spec, p_spec],
        out_specs=out_spec,
        out_shape=out_shape,
        input_output_aliases={0: 0},
    )(prev, idx2d, Ph, Pl)


def _matmul_fold_body(x_ref, we_ref, wo_ref, b_ref, o_ref):
    x32 = x_ref[...]
    x_even = jax.lax.bitcast_convert_type(x32 << 16, jnp.float32)
    x_odd = jax.lax.bitcast_convert_type(
        x32 & jnp.int32(-65536), jnp.float32
    )
    y = (
        jnp.dot(x_even, we_ref[...], preferred_element_type=jnp.float32)
        + jnp.dot(x_odd, wo_ref[...], preferred_element_type=jnp.float32)
        + b_ref[...]
    )
    o_ref[...] = y.reshape(o_ref.shape)


def _matmul_fold_body_aliased(prev_ref, x_ref, we_ref, wo_ref, b_ref, o_ref):
    del prev_ref
    _matmul_fold_body(x_ref, we_ref, wo_ref, b_ref, o_ref)


def _matmul_fold_chunk(prev, x, W_even, W_odd, b2d, nb, chunk):
    spc = nb // _NCHUNK // _BM
    x_spec = pl.BlockSpec((_BM * _SEQ, _FEAT_PAD // 2), lambda j: (j, 0))
    w_spec = pl.BlockSpec((_FEAT_PAD // 2, _EMBED), lambda j: (0, 0))
    b_spec = pl.BlockSpec((1, _EMBED), lambda j: (0, 0))
    out_spec = pl.BlockSpec(
        (_BM, _SEQ, _EMBED), lambda j, c=chunk: (c * spc + j, 0, 0)
    )
    out_shape = jax.ShapeDtypeStruct((nb, _SEQ, _EMBED), jnp.float32)
    if prev is None:
        return pl.pallas_call(
            _matmul_fold_body,
            grid=(spc,),
            in_specs=[x_spec, w_spec, w_spec, b_spec],
            out_specs=out_spec,
            out_shape=out_shape,
        )(x, W_even, W_odd, b2d)
    return pl.pallas_call(
        _matmul_fold_body_aliased,
        grid=(spc,),
        in_specs=[pl.BlockSpec(memory_space=pl.ANY), x_spec, w_spec, w_spec, b_spec],
        out_specs=out_spec,
        out_shape=out_shape,
        input_output_aliases={0: 0},
    )(prev, x, W_even, W_odd, b2d)


def kernel(indices, table, W, b):
    B, S = indices.shape
    table_bf = jnp.pad(
        table, ((0, _VOCAB_PAD - table.shape[0]), (0, _FEAT_PAD - table.shape[1]))
    ).astype(jnp.bfloat16)
    table_pad = jax.lax.bitcast_convert_type(
        table_bf.reshape(_VOCAB_PAD, _FEAT_PAD // 2, 2), jnp.int32
    )
    W_pad = jnp.pad(W, ((0, _FEAT_PAD - W.shape[0]), (0, 0)))
    W_even = W_pad[0::2, :]
    W_odd = W_pad[1::2, :]
    b2d = b.reshape(1, _EMBED)
    idx2d = indices.astype(jnp.int32)
    idx = idx2d.reshape(B * S)
    n_chunk = B * S // _NCHUNK

    table_f32 = jnp.pad(
        table, ((0, _VOCAB_PAD - table.shape[0]), (0, _FEAT_PAD - table.shape[1]))
    )
    P = pl.pallas_call(
        _proj_table_body,
        out_shape=jax.ShapeDtypeStruct((_VOCAB_PAD, _EMBED), jnp.float32),
    )(table_f32, W_pad, b2d)

    sc_chunks = list(range(_NSC))
    tc_chunks = list(range(_NSC, _NCHUNK))
    xs = {
        i: _gather(table_pad, jax.lax.slice(idx, (i * n_chunk,), ((i + 1) * n_chunk,)))
        for i in sc_chunks
    }
    Ph = P.astype(jnp.bfloat16)
    Pl = (P - Ph.astype(jnp.float32)).astype(jnp.bfloat16)
    idx_col = idx.reshape(B * S, 1)
    out = None
    for i in tc_chunks:
        out = _onehot_chunk(out, idx_col, Ph, Pl, B, i)
    for i in sc_chunks:
        out = _matmul_fold_chunk(out, xs[i], W_even, W_odd, b2d, B, i)
    return out

# --- scband reference (transcript-rebuilt; emitter-appended) ---
"""Pipeline reference for scband-element-embedder-62878321213870 (READ-ONLY COPY).

The authoritative reference and input builder live on the scoring server;
editing this copy changes nothing except your own understanding.
"""

import jax, jax.numpy as jnp
import numpy as np

VOCAB = 119        # 1 zero-pad row + 118 elements (mat2vec.csv)
FEAT = 200         # mat2vec feature size
EMBED_SIZE = 512   # embedding_size init kwarg
BATCH = 16384
SEQ = 20


def setup_inputs(seed: int = 0) -> dict:
    key = jax.random.key(seed)
    k1, k2, k3, k4 = jax.random.split(key, 4)
    indices = jax.random.randint(k1, (BATCH, SEQ), 0, VOCAB, dtype=jnp.int64 if jax.config.jax_enable_x64 else jnp.int32)
    # pretrained table: row 0 is all-zero padding, rest are element feature vectors
    props = jax.random.normal(k2, (VOCAB - 1, FEAT), dtype=jnp.float32)
    table = jnp.concatenate([jnp.zeros((1, FEAT), dtype=jnp.float32), props], axis=0)
    W = jax.random.normal(k3, (FEAT, EMBED_SIZE), dtype=jnp.float32) * (1.0 / np.sqrt(FEAT))
    b = jax.random.normal(k4, (EMBED_SIZE,), dtype=jnp.float32) * 0.01
    return {"indices": indices, "table": table, "W": W, "b": b}


def reference(indices, table, W, b):
    # self.cbfv(input): embedding lookup (gather)
    embedded = jnp.take(table, indices, axis=0)           # [B, S, FEAT]
    # self.fc_mat2vec(embedded): linear projection
    out = jnp.einsum("bsf,fe->bse", embedded, W) + b      # [B, S, EMBED_SIZE]
    return out

if __name__ == "__main__":
    import jax
    _d = setup_inputs()
    print(jax.jit(kernel)(*tuple(_d.values())))

</pallas_src>

<mosaic_0001>
#map = affine_map<(d0, d1) -> (0, 0)>
#map1 = affine_map<(d0, d1) -> (0)>
module attributes {stable_mosaic.version = 14 : i64} {
  func.func @k(%arg0: i32, %arg1: i32, %arg2: memref<128x128xi32, #tpu.memory_space<hbm>>, %arg3: memref<81920xi32, #tpu.memory_space<hbm>>, %arg4: memref<81920x128xi32, #tpu.memory_space<hbm>>, %arg5: memref<2560xi32, #tpu.memory_space<vmem>>, %arg6: memref<128x128xi32, #tpu.memory_space<vmem>>, %arg7: memref<128x128xi32, #tpu.memory_space<vmem>>, %arg8: memref<!tpu.dma_semaphore, #tpu.memory_space<semaphore_mem>>, %arg9: memref<!tpu.dma_semaphore, #tpu.memory_space<semaphore_mem>>, %arg10: memref<!tpu.dma_semaphore, #tpu.memory_space<semaphore_mem>>, %arg11: memref<!tpu.dma_semaphore, #tpu.memory_space<semaphore_mem>>) attributes {dimension_semantics = [#tpu.dimension_semantics<core_parallel>, #tpu.dimension_semantics<subcore_parallel>], iteration_bounds = array<i64: 2, 16>, scalar_prefetch = 0 : i64, scratch_operands = 7 : i64, tpu.core_type = #tpu.core_type<sc_vector_subcore>, window_params = [{transform_indices = #map}, {transform_indices = #map1}, {transform_indices = #map}]} {
    %mul3A = arith.constant 2 : i32
    %mul3A_0 = arith.muli %arg1, %mul3A : i32
    %add3A = arith.addi %mul3A_0, %arg0 : i32
    %mul3A_1 = arith.constant 2560 : i32
    %mul3A_2 = arith.muli %add3A, %mul3A_1 : i32
    "tpu.region"() ({
      %run_scoped3A = tpu.sem_alloc : memref<!tpu.dma_semaphore, #tpu.memory_space<semaphore_mem>>
      %dma_start3A_25 = tpu.memref_slice %arg3[%mul3A_2] : memref<81920xi32, #tpu.memory_space<hbm>> -> memref<2560xi32, #tpu.memory_space<hbm>>
      %dma_start3A_26 = tpu.memref_slice %arg3[%mul3A_2] : memref<81920xi32, #tpu.memory_space<hbm>> -> memref<2560xi32, #tpu.memory_space<hbm>>
      tpu.enqueue_dma source(%dma_start3A_26 : memref<2560xi32, #tpu.memory_space<hbm>>) target(%arg5 : memref<2560xi32, #tpu.memory_space<vmem>>) target_semaphore(%run_scoped3A : memref<!tpu.dma_semaphore, #tpu.memory_space<semaphore_mem>>)
      %dma_wait3A_27 = tpu.memref_slice %arg3[%mul3A_2] : memref<81920xi32, #tpu.memory_space<hbm>> -> memref<2560xi32, #tpu.memory_space<hbm>>
      %dma_wait3A_28 = tpu.memref_slice %arg3[%mul3A_2] : memref<81920xi32, #tpu.memory_space<hbm>> -> memref<2560xi32, #tpu.memory_space<hbm>>
      tpu.wait_dma2 semaphore(%run_scoped3A : memref<!tpu.dma_semaphore, #tpu.memory_space<semaphore_mem>>) src(%dma_wait3A_28 : memref<2560xi32, #tpu.memory_space<hbm>>) dst(%arg5 : memref<2560xi32, #tpu.memory_space<vmem>>)
      tpu.yield
    }) : () -> ()
    %dma_start3A = arith.constant 0 : i32
    %dma_start3A_3 = tpu.memref_slice %arg5[%dma_start3A] : memref<2560xi32, #tpu.memory_space<vmem>> -> memref<128xi32, #tpu.memory_space<vmem>>
    %dma_start3A_4 = arith.constant 0 : i32
    %dma_start3A_5 = arith.constant 0 : i32
    %dma_start3A_6 = tpu.memref_slice %arg2[%dma_start3A_4, %dma_start3A_5] : memref<128x128xi32, #tpu.memory_space<hbm>> -> memref<128x128xi32, #tpu.memory_space<hbm>>
    tpu.enqueue_indirect_dma source(%dma_start3A_6 : memref<128x128xi32, #tpu.memory_space<hbm>>) target(%arg6 : memref<128x128xi32, #tpu.memory_space<vmem>>) offsets(%dma_start3A_3 : memref<128xi32, #tpu.memory_space<vmem>>) semaphore(%arg8 : memref<!tpu.dma_semaphore, #tpu.memory_space<semaphore_mem>>)
    %dma_start3A_7 = arith.constant 128 : i32
    %dma_start3A_8 = tpu.memref_slice %arg5[%dma_start3A_7] : memref<2560xi32, #tpu.memory_space<vmem>> -> memref<128xi32, #tpu.memory_space<vmem>>
    %dma_start3A_9 = arith.constant 0 : i32
    %dma_start3A_10 = arith.constant 0 : i32
    %dma_start3A_11 = tpu.memref_slice %arg2[%dma_start3A_9, %dma_start3A_10] : memref<128x128xi32, #tpu.memory_space<hbm>> -> memref<128x128xi32, #tpu.memory_space<hbm>>
    tpu.enqueue_indirect_dma source(%dma_start3A_11 : memref<128x128xi32, #tpu.memory_space<hbm>>) target(%arg7 : memref<128x128xi32, #tpu.memory_space<vmem>>) offsets(%dma_start3A_8 : memref<128xi32, #tpu.memory_space<vmem>>) semaphore(%arg9 : memref<!tpu.dma_semaphore, #tpu.memory_space<semaphore_mem>>)
    %scan3A = arith.constant 0 : i32
    %scan3A_12 = arith.constant 10 : i32
    %scan3A_13 = arith.addi %scan3A, %scan3A_12 : i32
    %scan3A_14 = arith.constant 1 : i32
    scf.for %scan3A_25 = %scan3A to %scan3A_13 step %scan3A_14  : i32 {
      %mul3A_26 = arith.constant 2 : i32
      %mul3A_27 = arith.muli %scan3A_25, %mul3A_26 : i32
      %add3A_28 = arith.constant 0 : i32
      %add3A_29 = arith.addi %add3A_28, %mul3A_27 : i32
      %add3A_30 = arith.constant 0 : i32
      %add3A_31 = arith.addi %add3A_29, %add3A_30 : i32
      %dma_wait3A_32 = arith.constant 0 : i32
      %dma_wait3A_33 = tpu.memref_slice %arg5[%dma_wait3A_32] : memref<2560xi32, #tpu.memory_space<vmem>> -> memref<128xi32, #tpu.memory_space<vmem>>
      %dma_wait3A_34 = arith.constant 0 : i32
      %dma_wait3A_35 = arith.constant 0 : i32
      %dma_wait3A_36 = tpu.memref_slice %arg2[%dma_wait3A_34, %dma_wait3A_35] : memref<128x128xi32, #tpu.memory_space<hbm>> -> memref<128x128xi32, #tpu.memory_space<hbm>>
      tpu.wait_indirect_dma semaphore(%arg8 : memref<!tpu.dma_semaphore, #tpu.memory_space<semaphore_mem>>) src(%dma_wait3A_36 : memref<128x128xi32, #tpu.memory_space<hbm>>) dst(%arg6 : memref<128x128xi32, #tpu.memory_space<vmem>>)
      %mul3A_37 = arith.constant 128 : i32
      %mul3A_38 = arith.muli %add3A_31, %mul3A_37 : i32
      %add3A_39 = arith.addi %mul3A_2, %mul3A_38 : i32
      %dma_start3A_40 = arith.constant 0 : i32
      %dma_start3A_41 = tpu.memref_slice %arg4[%add3A_39, %dma_start3A_40] : memref<81920x128xi32, #tpu.memory_space<hbm>> -> memref<128x128xi32, #tpu.memory_space<hbm>>
      %dma_start3A_42 = arith.constant 0 : i32
      %dma_start3A_43 = tpu.memref_slice %arg4[%add3A_39, %dma_start3A_42] : memref<81920x128xi32, #tpu.memory_space<hbm>> -> memref<128x128xi32, #tpu.memory_space<hbm>>
      tpu.enqueue_dma source(%arg6 : memref<128x128xi32, #tpu.memory_space<vmem>>) target(%dma_start3A_43 : memref<128x128xi32, #tpu.memory_space<hbm>>) target_semaphore(%arg10 : memref<!tpu.dma_semaphore, #tpu.memory_space<semaphore_mem>>)
      %dma_wait3A_44 = arith.constant 0 : i32
      %dma_wait3A_45 = tpu.memref_slice %arg4[%add3A_39, %dma_wait3A_44] : memref<81920x128xi32, #tpu.memory_space<hbm>> -> memref<128x128xi32, #tpu.memory_space<hbm>>
      %dma_wait3A_46 = arith.constant 0 : i32
      %dma_wait3A_47 = tpu.memref_slice %arg4[%add3A_39, %dma_wait3A_46] : memref<81920x128xi32, #tpu.memory_space<hbm>> -> memref<128x128xi32, #tpu.memory_space<hbm>>
      tpu.wait_dma2 semaphore(%arg10 : memref<!tpu.dma_semaphore, #tpu.memory_space<semaphore_mem>>) src(%arg6 : memref<128x128xi32, #tpu.memory_space<vmem>>) dst(%dma_wait3A_47 : memref<128x128xi32, #tpu.memory_space<hbm>>)
      %add3A_48 = arith.constant 2 : i32
      %add3A_49 = arith.addi %add3A_31, %add3A_48 : i32
      %lt3A = arith.constant 20 : i32
      %lt3A_50 = arith.cmpi slt, %add3A_49, %lt3A : i32
      %add3A_51 = arith.constant 2 : i32
      %add3A_52 = arith.addi %add3A_31, %add3A_51 : i32
      %add3A_53 = arith.constant 2 : i32
      %add3A_54 = arith.addi %add3A_31, %add3A_53 : i32
      %sub3A = arith.constant 20 : i32
      %sub3A_55 = arith.subi %add3A_54, %sub3A : i32
      %select_n3A = arith.select %lt3A_50, %add3A_52, %sub3A_55 : i32
      %mul3A_56 = arith.constant 128 : i32
      %mul3A_57 = arith.muli %select_n3A, %mul3A_56 : i32
      %dma_start3A_58 = tpu.memref_slice %arg5[%mul3A_57] : memref<2560xi32, #tpu.memory_space<vmem>> -> memref<128xi32, #tpu.memory_space<vmem>>
      %dma_start3A_59 = arith.constant 0 : i32
      %dma_start3A_60 = arith.constant 0 : i32
      %dma_start3A_61 = tpu.memref_slice %arg2[%dma_start3A_59, %dma_start3A_60] : memref<128x128xi32, #tpu.memory_space<hbm>> -> memref<128x128xi32, #tpu.memory_space<hbm>>
      tpu.enqueue_indirect_dma source(%dma_start3A_61 : memref<128x128xi32, #tpu.memory_space<hbm>>) target(%arg6 : memref<128x128xi32, #tpu.memory_space<vmem>>) offsets(%dma_start3A_58 : memref<128xi32, #tpu.memory_space<vmem>>) semaphore(%arg8 : memref<!tpu.dma_semaphore, #tpu.memory_space<semaphore_mem>>)
      %add3A_62 = arith.constant 1 : i32
      %add3A_63 = arith.addi %add3A_29, %add3A_62 : i32
      %dma_wait3A_64 = arith.constant 0 : i32
      %dma_wait3A_65 = tpu.memref_slice %arg5[%dma_wait3A_64] : memref<2560xi32, #tpu.memory_space<vmem>> -> memref<128xi32, #tpu.memory_space<vmem>>
      %dma_wait3A_66 = arith.constant 0 : i32
      %dma_wait3A_67 = arith.constant 0 : i32
      %dma_wait3A_68 = tpu.memref_slice %arg2[%dma_wait3A_66, %dma_wait3A_67] : memref<128x128xi32, #tpu.memory_space<hbm>> -> memref<128x128xi32, #tpu.memory_space<hbm>>
      tpu.wait_indirect_dma semaphore(%arg9 : memref<!tpu.dma_semaphore, #tpu.memory_space<semaphore_mem>>) src(%dma_wait3A_68 : memref<128x128xi32, #tpu.memory_space<hbm>>) dst(%arg7 : memref<128x128xi32, #tpu.memory_space<vmem>>)
      %mul3A_69 = arith.constant 128 : i32
      %mul3A_70 = arith.muli %add3A_63, %mul3A_69 : i32
      %add3A_71 = arith.addi %mul3A_2, %mul3A_70 : i32
      %dma_start3A_72 = arith.constant 0 : i32
      %dma_start3A_73 = tpu.memref_slice %arg4[%add3A_71, %dma_start3A_72] : memref<81920x128xi32, #tpu.memory_space<hbm>> -> memref<128x128xi32, #tpu.memory_space<hbm>>
      %dma_start3A_74 = arith.constant 0 : i32
      %dma_start3A_75 = tpu.memref_slice %arg4[%add3A_71, %dma_start3A_74] : memref<81920x128xi32, #tpu.memory_space<hbm>> -> memref<128x128xi32, #tpu.memory_space<hbm>>
      tpu.enqueue_dma source(%arg7 : memref<128x128xi32, #tpu.memory_space<vmem>>) target(%dma_start3A_75 : memref<128x128xi32, #tpu.memory_space<hbm>>) target_semaphore(%arg11 : memref<!tpu.dma_semaphore, #tpu.memory_space<semaphore_mem>>)
      %dma_wait3A_76 = arith.constant 0 : i32
      %dma_wait3A_77 = tpu.memref_slice %arg4[%add3A_71, %dma_wait3A_76] : memref<81920x128xi32, #tpu.memory_space<hbm>> -> memref<128x128xi32, #tpu.memory_space<hbm>>
      %dma_wait3A_78 = arith.constant 0 : i32
      %dma_wait3A_79 = tpu.memref_slice %arg4[%add3A_71, %dma_wait3A_78] : memref<81920x128xi32, #tpu.memory_space<hbm>> -> memref<128x128xi32, #tpu.memory_space<hbm>>
      tpu.wait_dma2 semaphore(%arg11 : memref<!tpu.dma_semaphore, #tpu.memory_space<semaphore_mem>>) src(%arg7 : memref<128x128xi32, #tpu.memory_space<vmem>>) dst(%dma_wait3A_79 : memref<128x128xi32, #tpu.memory_space<hbm>>)
      %add3A_80 = arith.constant 2 : i32
      %add3A_81 = arith.addi %add3A_63, %add3A_80 : i32
      %lt3A_82 = arith.constant 20 : i32
      %lt3A_83 = arith.cmpi slt, %add3A_81, %lt3A_82 : i32
      %add3A_84 = arith.constant 2 : i32
      %add3A_85 = arith.addi %add3A_63, %add3A_84 : i32
      %add3A_86 = arith.constant 2 : i32
      %add3A_87 = arith.addi %add3A_63, %add3A_86 : i32
      %sub3A_88 = arith.constant 20 : i32
      %sub3A_89 = arith.subi %add3A_87, %sub3A_88 : i32
      %select_n3A_90 = arith.select %lt3A_83, %add3A_85, %sub3A_89 : i32
      %mul3A_91 = arith.constant 128 : i32
      %mul3A_92 = arith.muli %select_n3A_90, %mul3A_91 : i32
      %dma_start3A_93 = tpu.memref_slice %arg5[%mul3A_92] : memref<2560xi32, #tpu.memory_space<vmem>> -> memref<128xi32, #tpu.memory_space<vmem>>
      %dma_start3A_94 = arith.constant 0 : i32
      %dma_start3A_95 = arith.constant 0 : i32
      %dma_start3A_96 = tpu.memref_slice %arg2[%dma_start3A_94, %dma_start3A_95] : memref<128x128xi32, #tpu.memory_space<hbm>> -> memref<128x128xi32, #tpu.memory_space<hbm>>
      tpu.enqueue_indirect_dma source(%dma_start3A_96 : memref<128x128xi32, #tpu.memory_space<hbm>>) target(%arg7 : memref<128x128xi32, #tpu.memory_space<vmem>>) offsets(%dma_start3A_93 : memref<128xi32, #tpu.memory_space<vmem>>) semaphore(%arg9 : memref<!tpu.dma_semaphore, #tpu.memory_space<semaphore_mem>>)
    }
    %scan3A_15 = arith.constant 10 : i32
    %dma_wait3A = arith.constant 0 : i32
    %dma_wait3A_16 = tpu.memref_slice %arg5[%dma_wait3A] : memref<2560xi32, #tpu.memory_space<vmem>> -> memref<128xi32, #tpu.memory_space<vmem>>
    %dma_wait3A_17 = arith.constant 0 : i32
    %dma_wait3A_18 = arith.constant 0 : i32
    %dma_wait3A_19 = tpu.memref_slice %arg2[%dma_wait3A_17, %dma_wait3A_18] : memref<128x128xi32, #tpu.memory_space<hbm>> -> memref<128x128xi32, #tpu.memory_space<hbm>>
    tpu.wait_indirect_dma semaphore(%arg8 : memref<!tpu.dma_semaphore, #tpu.memory_space<semaphore_mem>>) src(%dma_wait3A_19 : memref<128x128xi32, #tpu.memory_space<hbm>>) dst(%arg6 : memref<128x128xi32, #tpu.memory_space<vmem>>)
    %dma_wait3A_20 = arith.constant 0 : i32
    %dma_wait3A_21 = tpu.memref_slice %arg5[%dma_wait3A_20] : memref<2560xi32, #tpu.memory_space<vmem>> -> memref<128xi32, #tpu.memory_space<vmem>>
    %dma_wait3A_22 = arith.constant 0 : i32
    %dma_wait3A_23 = arith.constant 0 : i32
    %dma_wait3A_24 = tpu.memref_slice %arg2[%dma_wait3A_22, %dma_wait3A_23] : memref<128x128xi32, #tpu.memory_space<hbm>> -> memref<128x128xi32, #tpu.memory_space<hbm>>
    tpu.wait_indirect_dma semaphore(%arg9 : memref<!tpu.dma_semaphore, #tpu.memory_space<semaphore_mem>>) src(%dma_wait3A_24 : memref<128x128xi32, #tpu.memory_space<hbm>>) dst(%arg7 : memref<128x128xi32, #tpu.memory_space<vmem>>)
    return
  }
}

module attributes {stable_mosaic.version = 14 : i64} {
  func.func @_proj_table_body(%arg0: memref<128x256xf32, #tpu.memory_space<vmem>>, %arg1: memref<256x512xf32, #tpu.memory_space<vmem>>, %arg2: memref<1x512xf32, #tpu.memory_space<vmem>>, %arg3: memref<128x512xf32, #tpu.memory_space<vmem>>) attributes {dimension_semantics = [], scalar_prefetch = 0 : i64, scratch_operands = 0 : i64, tpu.core_type = #tpu.core_type<tc>} {
    %get3A = arith.constant 0 : index
    %get3A_0 = arith.constant 0 : index
    %get3A_1 = vector.load %arg0[%get3A, %get3A_0] : memref<128x256xf32, #tpu.memory_space<vmem>>, vector<128x256xf32>
    %get3A_2 = arith.constant 0 : index
    %get3A_3 = arith.constant 0 : index
    %get3A_4 = vector.load %arg1[%get3A_2, %get3A_3] : memref<256x512xf32, #tpu.memory_space<vmem>>, vector<256x512xf32>
    %dot_general3A = arith.constant dense<0.000000e+00> : vector<128x512xf32>
    %dot_general3A_5 = tpu.matmul %get3A_1, %get3A_4, %dot_general3A {dimension_numbers = #tpu.dot_dimension_numbers<[1], [0], [0], [1], [0, 0, 1, 1], [], []>, transpose_lhs_hint = false} : vector<128x256xf32>, vector<256x512xf32>, vector<128x512xf32> -> vector<128x512xf32>
    %get3A_6 = arith.constant 0 : index
    %get3A_7 = arith.constant 0 : index
    %get3A_8 = vector.load %arg2[%get3A_6, %get3A_7] : memref<1x512xf32, #tpu.memory_space<vmem>>, vector<1x512xf32>
    %add3A = vector.broadcast %get3A_8 : vector<1x512xf32> to vector<128x512xf32>
    %add3A_9 = arith.addf %dot_general3A_5, %add3A : vector<128x512xf32>
    %swap3A = arith.constant 0 : index
    %swap3A_10 = arith.constant 0 : index
    %swap3A_11 = vector.load %arg3[%swap3A, %swap3A_10] : memref<128x512xf32, #tpu.memory_space<vmem>>, vector<128x512xf32>
    tpu.vector_store %arg3[%swap3A, %swap3A_10], %add3A_9 {strides = array<i32>} : memref<128x512xf32, #tpu.memory_space<vmem>>, vector<128x512xf32>,
    return
  }
}

module attributes {stable_mosaic.version = 14 : i64} {
  func.func @_onehot_body(%arg0: i32, %arg1: memref<2560x1xi32, #tpu.memory_space<vmem>>, %arg2: memref<128x512xbf16, #tpu.memory_space<vmem>>, %arg3: memref<128x512xbf16, #tpu.memory_space<vmem>>, %arg4: memref<128x20x512xf32, #tpu.memory_space<vmem>>) attributes {dimension_semantics = [#tpu.dimension_semantics<arbitrary>], iteration_bounds = array<i64: 32>, scalar_prefetch = 0 : i64, scratch_operands = 0 : i64, tpu.core_type = #tpu.core_type<tc>, window_params = [{transform_indices = @transform_0, window_bounds = array<i64: 2560, 1>}, {pipeline_mode = #tpu.pipeline_mode<synchronous>, transform_indices = @transform_1, window_bounds = array<i64: 128, 512>}, {pipeline_mode = #tpu.pipeline_mode<synchronous>, transform_indices = @transform_2, window_bounds = array<i64: 128, 512>}, {transform_indices = @transform_3, window_bounds = array<i64: 128, 20, 512>}]} {
    %get3A = arith.constant 0 : index
    %get3A_0 = arith.constant 0 : index
    %get3A_1 = vector.load %arg1[%get3A, %get3A_0] : memref<2560x1xi32, #tpu.memory_space<vmem>>, vector<2560x1xi32>
    %iota3A = tpu.iota {dimensions = array<i32: 1>} : vector<2560x128xi32>
    %eq3A = vector.broadcast %get3A_1 : vector<2560x1xi32> to vector<2560x128xi32>
    %eq3A_2 = arith.cmpi eq, %iota3A, %eq3A : vector<2560x128xi32>
    %convert_element_type3A = arith.extui %eq3A_2 : vector<2560x128xi1> to vector<2560x128xi32>
    %convert_element_type3A_3 = arith.sitofp %convert_element_type3A : vector<2560x128xi32> to vector<2560x128xf32>
    %convert_element_type3A_4 = arith.truncf %convert_element_type3A_3 : vector<2560x128xf32> to vector<2560x128xbf16>
    %get3A_5 = arith.constant 0 : index
    %get3A_6 = arith.constant 0 : index
    %get3A_7 = vector.load %arg2[%get3A_5, %get3A_6] : memref<128x512xbf16, #tpu.memory_space<vmem>>, vector<128x512xbf16>
    %dot_general3A = arith.constant dense<0.000000e+00> : vector<2560x512xf32>
    %dot_general3A_8 = tpu.matmul %convert_element_type3A_4, %get3A_7, %dot_general3A {dimension_numbers = #tpu.dot_dimension_numbers<[1], [0], [0], [1], [0, 0, 1, 1], [], []>, transpose_lhs_hint = false} : vector<2560x128xbf16>, vector<128x512xbf16>, vector<2560x512xf32> -> vector<2560x512xf32>
    %get3A_9 = arith.constant 0 : index
    %get3A_10 = arith.constant 0 : index
    %get3A_11 = vector.load %arg3[%get3A_9, %get3A_10] : memref<128x512xbf16, #tpu.memory_space<vmem>>, vector<128x512xbf16>
    %dot_general3A_12 = arith.constant dense<0.000000e+00> : vector<2560x512xf32>
    %dot_general3A_13 = tpu.matmul %convert_element_type3A_4, %get3A_11, %dot_general3A_12 {dimension_numbers = #tpu.dot_dimension_numbers<[1], [0], [0], [1], [0, 0, 1, 1], [], []>, transpose_lhs_hint = false} : vector<2560x128xbf16>, vector<128x512xbf16>, vector<2560x512xf32> -> vector<2560x512xf32>
    %add3A = arith.addf %dot_general3A_8, %dot_general3A_13 : vector<2560x512xf32>
    %reshape3A = vector.shape_cast %add3A : vector<2560x512xf32> to vector<128x20x512xf32>
    %swap3A = arith.constant 0 : index
    %swap3A_14 = arith.constant 0 : index
    %swap3A_15 = arith.constant 0 : index
    %swap3A_16 = vector.load %arg4[%swap3A, %swap3A_14, %swap3A_15] : memref<128x20x512xf32, #tpu.memory_space<vmem>>, vector<128x20x512xf32>
    tpu.vector_store %arg4[%swap3A, %swap3A_14, %swap3A_15], %reshape3A {strides = array<i32>} : memref<128x20x512xf32, #tpu.memory_space<vmem>>, vector<128x20x512xf32>,
    return
  }
  func.func @transform_0(%arg0: i32) -> (i32, i32) {
    %add3A = arith.constant 32 : i32
    %add3A_0 = arith.addi %add3A, %arg0 : i32
    %c0_i32 = arith.constant 0 : i32
    %c0_i32_1 = arith.constant 0 : i32
    return %add3A_0, %c0_i32 : i32, i32
  }
  func.func @transform_1(%arg0: i32) -> (i32, i32) {
    %c0_i32 = arith.constant 0 : i32
    %c0_i32_0 = arith.constant 0 : i32
    %c0_i32_1 = arith.constant 0 : i32
    return %c0_i32, %c0_i32_0 : i32, i32
  }
  func.func @transform_2(%arg0: i32) -> (i32, i32) {
    %c0_i32 = arith.constant 0 : i32
    %c0_i32_0 = arith.constant 0 : i32
    %c0_i32_1 = arith.constant 0 : i32
    return %c0_i32, %c0_i32_0 : i32, i32
  }
  func.func @transform_3(%arg0: i32) -> (i32, i32, i32) {
    %add3A = arith.constant 32 : i32
    %add3A_0 = arith.addi %add3A, %arg0 : i32
    %c0_i32 = arith.constant 0 : i32
    %c0_i32_1 = arith.constant 0 : i32
    %c0_i32_2 = arith.constant 0 : i32
    return %add3A_0, %c0_i32, %c0_i32_1 : i32, i32, i32
  }
}

module attributes {stable_mosaic.version = 14 : i64} {
  func.func @_onehot_body_aliased(%arg0: i32, %arg1: memref<16384x20x512xf32, #tpu.memory_space<any>>, %arg2: memref<2560x1xi32, #tpu.memory_space<vmem>>, %arg3: memref<128x512xbf16, #tpu.memory_space<vmem>>, %arg4: memref<128x512xbf16, #tpu.memory_space<vmem>>, %arg5: memref<128x20x512xf32, #tpu.memory_space<vmem>>) attributes {dimension_semantics = [#tpu.dimension_semantics<arbitrary>], iteration_bounds = array<i64: 32>, scalar_prefetch = 0 : i64, scratch_operands = 0 : i64, tpu.core_type = #tpu.core_type<tc>, window_params = [{}, {transform_indices = @transform_1, window_bounds = array<i64: 2560, 1>}, {pipeline_mode = #tpu.pipeline_mode<synchronous>, transform_indices = @transform_2, window_bounds = array<i64: 128, 512>}, {pipeline_mode = #tpu.pipeline_mode<synchronous>, transform_indices = @transform_3, window_bounds = array<i64: 128, 512>}, {transform_indices = @transform_4, window_bounds = array<i64: 128, 20, 512>}]} {
    %get3A = arith.constant 0 : index
    %get3A_0 = arith.constant 0 : index
    %get3A_1 = vector.load %arg2[%get3A, %get3A_0] : memref<2560x1xi32, #tpu.memory_space<vmem>>, vector<2560x1xi32>
    %iota3A = tpu.iota {dimensions = array<i32: 1>} : vector<2560x128xi32>
    %eq3A = vector.broadcast %get3A_1 : vector<2560x1xi32> to vector<2560x128xi32>
    %eq3A_2 = arith.cmpi eq, %iota3A, %eq3A : vector<2560x128xi32>
    %convert_element_type3A = arith.extui %eq3A_2 : vector<2560x128xi1> to vector<2560x128xi32>
    %convert_element_type3A_3 = arith.sitofp %convert_element_type3A : vector<2560x128xi32> to vector<2560x128xf32>
    %convert_element_type3A_4 = arith.truncf %convert_element_type3A_3 : vector<2560x128xf32> to vector<2560x128xbf16>
    %get3A_5 = arith.constant 0 : index
    %get3A_6 = arith.constant 0 : index
    %get3A_7 = vector.load %arg3[%get3A_5, %get3A_6] : memref<128x512xbf16, #tpu.memory_space<vmem>>, vector<128x512xbf16>
    %dot_general3A = arith.constant dense<0.000000e+00> : vector<2560x512xf32>
    %dot_general3A_8 = tpu.matmul %convert_element_type3A_4, %get3A_7, %dot_general3A {dimension_numbers = #tpu.dot_dimension_numbers<[1], [0], [0], [1], [0, 0, 1, 1], [], []>, transpose_lhs_hint = false} : vector<2560x128xbf16>, vector<128x512xbf16>, vector<2560x512xf32> -> vector<2560x512xf32>
    %get3A_9 = arith.constant 0 : index
    %get3A_10 = arith.constant 0 : index
    %get3A_11 = vector.load %arg4[%get3A_9, %get3A_10] : memref<128x512xbf16, #tpu.memory_space<vmem>>, vector<128x512xbf16>
    %dot_general3A_12 = arith.constant dense<0.000000e+00> : vector<2560x512xf32>
    %dot_general3A_13 = tpu.matmul %convert_element_type3A_4, %get3A_11, %dot_general3A_12 {dimension_numbers = #tpu.dot_dimension_numbers<[1], [0], [0], [1], [0, 0, 1, 1], [], []>, transpose_lhs_hint = false} : vector<2560x128xbf16>, vector<128x512xbf16>, vector<2560x512xf32> -> vector<2560x512xf32>
    %add3A = arith.addf %dot_general3A_8, %dot_general3A_13 : vector<2560x512xf32>
    %reshape3A = vector.shape_cast %add3A : vector<2560x512xf32> to vector<128x20x512xf32>
    %swap3A = arith.constant 0 : index
    %swap3A_14 = arith.constant 0 : index
    %swap3A_15 = arith.constant 0 : index
    %swap3A_16 = vector.load %arg5[%swap3A, %swap3A_14, %swap3A_15] : memref<128x20x512xf32, #tpu.memory_space<vmem>>, vector<128x20x512xf32>
    tpu.vector_store %arg5[%swap3A, %swap3A_14, %swap3A_15], %reshape3A {strides = array<i32>} : memref<128x20x512xf32, #tpu.memory_space<vmem>>, vector<128x20x512xf32>,
    return
  }
  func.func @transform_1(%arg0: i32) -> (i32, i32) {
    %add3A = arith.constant 64 : i32
    %add3A_0 = arith.addi %add3A, %arg0 : i32
    %c0_i32 = arith.constant 0 : i32
    %c0_i32_1 = arith.constant 0 : i32
    return %add3A_0, %c0_i32 : i32, i32
  }
  func.func @transform_2(%arg0: i32) -> (i32, i32) {
    %c0_i32 = arith.constant 0 : i32
    %c0_i32_0 = arith.constant 0 : i32
    %c0_i32_1 = arith.constant 0 : i32
    return %c0_i32, %c0_i32_0 : i32, i32
  }
  func.func @transform_3(%arg0: i32) -> (i32, i32) {
    %c0_i32 = arith.constant 0 : i32
    %c0_i32_0 = arith.constant 0 : i32
    %c0_i32_1 = arith.constant 0 : i32
    return %c0_i32, %c0_i32_0 : i32, i32
  }
  func.func @transform_4(%arg0: i32) -> (i32, i32, i32) {
    %add3A = arith.constant 64 : i32
    %add3A_0 = arith.addi %add3A, %arg0 : i32
    %c0_i32 = arith.constant 0 : i32
    %c0_i32_1 = arith.constant 0 : i32
    %c0_i32_2 = arith.constant 0 : i32
    return %add3A_0, %c0_i32, %c0_i32_1 : i32, i32, i32
  }
}

module attributes {stable_mosaic.version = 14 : i64} {
  func.func @_onehot_body_aliased(%arg0: i32, %arg1: memref<16384x20x512xf32, #tpu.memory_space<any>>, %arg2: memref<2560x1xi32, #tpu.memory_space<vmem>>, %arg3: memref<128x512xbf16, #tpu.memory_space<vmem>>, %arg4: memref<128x512xbf16, #tpu.memory_space<vmem>>, %arg5: memref<128x20x512xf32, #tpu.memory_space<vmem>>) attributes {dimension_semantics = [#tpu.dimension_semantics<arbitrary>], iteration_bounds = array<i64: 32>, scalar_prefetch = 0 : i64, scratch_operands = 0 : i64, tpu.core_type = #tpu.core_type<tc>, window_params = [{}, {transform_indices = @transform_1, window_bounds = array<i64: 2560, 1>}, {pipeline_mode = #tpu.pipeline_mode<synchronous>, transform_indices = @transform_2, window_bounds = array<i64: 128, 512>}, {pipeline_mode = #tpu.pipeline_mode<synchronous>, transform_indices = @transform_3, window_bounds = array<i64: 128, 512>}, {transform_indices = @transform_4, window_bounds = array<i64: 128, 20, 512>}]} {
    %get3A = arith.constant 0 : index
    %get3A_0 = arith.constant 0 : index
    %get3A_1 = vector.load %arg2[%get3A, %get3A_0] : memref<2560x1xi32, #tpu.memory_space<vmem>>, vector<2560x1xi32>
    %iota3A = tpu.iota {dimensions = array<i32: 1>} : vector<2560x128xi32>
    %eq3A = vector.broadcast %get3A_1 : vector<2560x1xi32> to vector<2560x128xi32>
    %eq3A_2 = arith.cmpi eq, %iota3A, %eq3A : vector<2560x128xi32>
    %convert_element_type3A = arith.extui %eq3A_2 : vector<2560x128xi1> to vector<2560x128xi32>
    %convert_element_type3A_3 = arith.sitofp %convert_element_type3A : vector<2560x128xi32> to vector<2560x128xf32>
    %convert_element_type3A_4 = arith.truncf %convert_element_type3A_3 : vector<2560x128xf32> to vector<2560x128xbf16>
    %get3A_5 = arith.constant 0 : index
    %get3A_6 = arith.constant 0 : index
    %get3A_7 = vector.load %arg3[%get3A_5, %get3A_6] : memref<128x512xbf16, #tpu.memory_space<vmem>>, vector<128x512xbf16>
    %dot_general3A = arith.constant dense<0.000000e+00> : vector<2560x512xf32>
    %dot_general3A_8 = tpu.matmul %convert_element_type3A_4, %get3A_7, %dot_general3A {dimension_numbers = #tpu.dot_dimension_numbers<[1], [0], [0], [1], [0, 0, 1, 1], [], []>, transpose_lhs_hint = false} : vector<2560x128xbf16>, vector<128x512xbf16>, vector<2560x512xf32> -> vector<2560x512xf32>
    %get3A_9 = arith.constant 0 : index
    %get3A_10 = arith.constant 0 : index
    %get3A_11 = vector.load %arg4[%get3A_9, %get3A_10] : memref<128x512xbf16, #tpu.memory_space<vmem>>, vector<128x512xbf16>
    %dot_general3A_12 = arith.constant dense<0.000000e+00> : vector<2560x512xf32>
    %dot_general3A_13 = tpu.matmul %convert_element_type3A_4, %get3A_11, %dot_general3A_12 {dimension_numbers = #tpu.dot_dimension_numbers<[1], [0], [0], [1], [0, 0, 1, 1], [], []>, transpose_lhs_hint = false} : vector<2560x128xbf16>, vector<128x512xbf16>, vector<2560x512xf32> -> vector<2560x512xf32>
    %add3A = arith.addf %dot_general3A_8, %dot_general3A_13 : vector<2560x512xf32>
    %reshape3A = vector.shape_cast %add3A : vector<2560x512xf32> to vector<128x20x512xf32>
    %swap3A = arith.constant 0 : index
    %swap3A_14 = arith.constant 0 : index
    %swap3A_15 = arith.constant 0 : index
    %swap3A_16 = vector.load %arg5[%swap3A, %swap3A_14, %swap3A_15] : memref<128x20x512xf32, #tpu.memory_space<vmem>>, vector<128x20x512xf32>
    tpu.vector_store %arg5[%swap3A, %swap3A_14, %swap3A_15], %reshape3A {strides = array<i32>} : memref<128x20x512xf32, #tpu.memory_space<vmem>>, vector<128x20x512xf32>,
    return
  }
  func.func @transform_1(%arg0: i32) -> (i32, i32) {
    %add3A = arith.constant 96 : i32
    %add3A_0 = arith.addi %add3A, %arg0 : i32
    %c0_i32 = arith.constant 0 : i32
    %c0_i32_1 = arith.constant 0 : i32
    return %add3A_0, %c0_i32 : i32, i32
  }
  func.func @transform_2(%arg0: i32) -> (i32, i32) {
    %c0_i32 = arith.constant 0 : i32
    %c0_i32_0 = arith.constant 0 : i32
    %c0_i32_1 = arith.constant 0 : i32
    return %c0_i32, %c0_i32_0 : i32, i32
  }
  func.func @transform_3(%arg0: i32) -> (i32, i32) {
    %c0_i32 = arith.constant 0 : i32
    %c0_i32_0 = arith.constant 0 : i32
    %c0_i32_1 = arith.constant 0 : i32
    return %c0_i32, %c0_i32_0 : i32, i32
  }
  func.func @transform_4(%arg0: i32) -> (i32, i32, i32) {
    %add3A = arith.constant 96 : i32
    %add3A_0 = arith.addi %add3A, %arg0 : i32
    %c0_i32 = arith.constant 0 : i32
    %c0_i32_1 = arith.constant 0 : i32
    %c0_i32_2 = arith.constant 0 : i32
    return %add3A_0, %c0_i32, %c0_i32_1 : i32, i32, i32
  }
}

module attributes {stable_mosaic.version = 14 : i64} {
  func.func @_matmul_fold_body_aliased(%arg0: i32, %arg1: memref<16384x20x512xf32, #tpu.memory_space<any>>, %arg2: memref<2560x128xi32, #tpu.memory_space<vmem>>, %arg3: memref<128x512xf32, #tpu.memory_space<vmem>>, %arg4: memref<128x512xf32, #tpu.memory_space<vmem>>, %arg5: memref<1x512xf32, #tpu.memory_space<vmem>>, %arg6: memref<128x20x512xf32, #tpu.memory_space<vmem>>) attributes {dimension_semantics = [#tpu.dimension_semantics<arbitrary>], iteration_bounds = array<i64: 32>, scalar_prefetch = 0 : i64, scratch_operands = 0 : i64, tpu.core_type = #tpu.core_type<tc>, window_params = [{}, {transform_indices = @transform_1, window_bounds = array<i64: 2560, 128>}, {pipeline_mode = #tpu.pipeline_mode<synchronous>, transform_indices = @transform_2, window_bounds = array<i64: 128, 512>}, {pipeline_mode = #tpu.pipeline_mode<synchronous>, transform_indices = @transform_3, window_bounds = array<i64: 128, 512>}, {pipeline_mode = #tpu.pipeline_mode<synchronous>, transform_indices = @transform_4, window_bounds = array<i64: 1, 512>}, {transform_indices = @transform_5, window_bounds = array<i64: 128, 20, 512>}]} {
    %get3A = arith.constant 0 : index
    %get3A_0 = arith.constant 0 : index
    %get3A_1 = vector.load %arg2[%get3A, %get3A_0] : memref<2560x128xi32, #tpu.memory_space<vmem>>, vector<2560x128xi32>
    %shift_left3A = arith.constant 16 : i32
    %shift_left3A_2 = vector.broadcast %shift_left3A : i32 to vector<2560x128xi32>
    %shift_left3A_3 = arith.shli %get3A_1, %shift_left3A_2 : vector<2560x128xi32>
    %bitcast_convert_type3A = tpu.bitcast %shift_left3A_3 : vector<2560x128xi32> -> vector<2560x128xf32>
    %and3A = arith.constant -65536 : i32
    %and3A_4 = vector.broadcast %and3A : i32 to vector<2560x128xi32>
    %and3A_5 = arith.andi %get3A_1, %and3A_4 : vector<2560x128xi32>
    %bitcast_convert_type3A_6 = tpu.bitcast %and3A_5 : vector<2560x128xi32> -> vector<2560x128xf32>
    %get3A_7 = arith.constant 0 : index
    %get3A_8 = arith.constant 0 : index
    %get3A_9 = vector.load %arg3[%get3A_7, %get3A_8] : memref<128x512xf32, #tpu.memory_space<vmem>>, vector<128x512xf32>
    %dot_general3A = arith.constant dense<0.000000e+00> : vector<2560x512xf32>
    %dot_general3A_10 = tpu.matmul %bitcast_convert_type3A, %get3A_9, %dot_general3A {dimension_numbers = #tpu.dot_dimension_numbers<[1], [0], [0], [1], [0, 0, 1, 1], [], []>, transpose_lhs_hint = false} : vector<2560x128xf32>, vector<128x512xf32>, vector<2560x512xf32> -> vector<2560x512xf32>
    %get3A_11 = arith.constant 0 : index
    %get3A_12 = arith.constant 0 : index
    %get3A_13 = vector.load %arg4[%get3A_11, %get3A_12] : memref<128x512xf32, #tpu.memory_space<vmem>>, vector<128x512xf32>
    %dot_general3A_14 = arith.constant dense<0.000000e+00> : vector<2560x512xf32>
    %dot_general3A_15 = tpu.matmul %bitcast_convert_type3A_6, %get3A_13, %dot_general3A_14 {dimension_numbers = #tpu.dot_dimension_numbers<[1], [0], [0], [1], [0, 0, 1, 1], [], []>, transpose_lhs_hint = false} : vector<2560x128xf32>, vector<128x512xf32>, vector<2560x512xf32> -> vector<2560x512xf32>
    %add3A = arith.addf %dot_general3A_10, %dot_general3A_15 : vector<2560x512xf32>
    %get3A_16 = arith.constant 0 : index
    %get3A_17 = arith.constant 0 : index
    %get3A_18 = vector.load %arg5[%get3A_16, %get3A_17] : memref<1x512xf32, #tpu.memory_space<vmem>>, vector<1x512xf32>
    %add3A_19 = vector.broadcast %get3A_18 : vector<1x512xf32> to vector<2560x512xf32>
    %add3A_20 = arith.addf %add3A, %add3A_19 : vector<2560x512xf32>
    %reshape3A = vector.shape_cast %add3A_20 : vector<2560x512xf32> to vector<128x20x512xf32>
    %swap3A = arith.constant 0 : index
    %swap3A_21 = arith.constant 0 : index
    %swap3A_22 = arith.constant 0 : index
    %swap3A_23 = vector.load %arg6[%swap3A, %swap3A_21, %swap3A_22] : memref<128x20x512xf32, #tpu.memory_space<vmem>>, vector<128x20x512xf32>
    tpu.vector_store %arg6[%swap3A, %swap3A_21, %swap3A_22], %reshape3A {strides = array<i32>} : memref<128x20x512xf32, #tpu.memory_space<vmem>>, vector<128x20x512xf32>,
    return
  }
  func.func @transform_1(%arg0: i32) -> (i32, i32) {
    %c0_i32 = arith.constant 0 : i32
    %c0_i32_0 = arith.constant 0 : i32
    return %arg0, %c0_i32 : i32, i32
  }
  func.func @transform_2(%arg0: i32) -> (i32, i32) {
    %c0_i32 = arith.constant 0 : i32
    %c0_i32_0 = arith.constant 0 : i32
    %c0_i32_1 = arith.constant 0 : i32
    return %c0_i32, %c0_i32_0 : i32, i32
  }
  func.func @transform_3(%arg0: i32) -> (i32, i32) {
    %c0_i32 = arith.constant 0 : i32
    %c0_i32_0 = arith.constant 0 : i32
    %c0_i32_1 = arith.constant 0 : i32
    return %c0_i32, %c0_i32_0 : i32, i32
  }
  func.func @transform_4(%arg0: i32) -> (i32, i32) {
    %c0_i32 = arith.constant 0 : i32
    %c0_i32_0 = arith.constant 0 : i32
    %c0_i32_1 = arith.constant 0 : i32
    return %c0_i32, %c0_i32_0 : i32, i32
  }
  func.func @transform_5(%arg0: i32) -> (i32, i32, i32) {
    %add3A = arith.constant 0 : i32
    %add3A_0 = arith.addi %add3A, %arg0 : i32
    %c0_i32 = arith.constant 0 : i32
    %c0_i32_1 = arith.constant 0 : i32
    %c0_i32_2 = arith.constant 0 : i32
    return %add3A_0, %c0_i32, %c0_i32_1 : i32, i32, i32
  }
}

</mosaic_0001>

<sc_bundles>
// kernel: kernel.8.cloned.1.call-start
scs
__scs_entry_jumppad:
0x0: {  	(pc) =	sbr.rel $0x88, $3  }
0x1: {  	(tag) =	ssettag $0x0;
	lr =	simm.s32 $0x1  }
0x2: {  	[smem:$0x3F9D] =	sst lr;
	_ =	strace $0xD0000000  }
0x3: {  	_ = 	snop  }
0x4: {  	_ = 	snop  }
0x5: {  	_ = 	snop  }
0x6: {  	_ = 	snop  }
0x7: {  	_ = 	snop  }
__scs_overlays_trampoline_lowered:
0x8: {  	[smem:$0x3FAC] =	sst s0  }
0x9: {  	[smem:$0x3FAD] =	sst s1  }
0xa: {  	[smem:$0x3FAE] =	sst s2  }
0xb: {  	[smem:$0x3FAF] =	sst s3  }
0xc: {  	[smem:$0x3FB0] =	sst s4  }
0xd: {  	[smem:$0x3FB1] =	sst s5  }
0xe: {  	[smem:$0x3FB2] =	sst s6  }
0xf: {  	[smem:$0x3FB3] =	sst s7  }
0x10: {  	[smem:$0x3FB4] =	sst s8  }
0x11: {  	[smem:$0x3FB5] =	sst s9;
	s0 =	simm.s32 @!p0 $0x0  }
0x12: {  	s1 =	sld [smem:$0x3F9B];
	s0 =	simm.s32 @p0 $0x1  }
0x13: {  	[smem:$0x3FB6] =	sst s0;
	s0 =	simm.s32 @!p1 $0x0  }
0x14: {  	s2 =	sld [smem:$0x3F9A];
	s0 =	simm.s32 @p1 $0x1  }
0x15: {  	[smem:$0x3FB7] =	sst s0;
	s0 =	simm.s32 @!p2 $0x0  }
0x16: {  	s3 =	sld [smem:$0x3FDB];
	s0 =	simm.s32 @p2 $0x1  }
0x17: {  	s4 =	simm.s32 $0x1BF5;
	[smem:$0x3FB9] =	sst s0  }
0x18: {  	s0 =	sld [smem:$0x3F9C];
	_ =	swait.ge [sflag:s4], $0x0  }
0x19: {  	s7 =	sld [smem:$0x3F9D]  }
0x1a: {  	s8 =	sadd.s32 $0xFFFFE003, lr  }
0x1b: {  	s9 =	sadd.s32 $0xFFFFFEF7, lr;
	s5 =	simm.s32 $0xFFFFFFFF;
	p2 =	slt.u32 s8, $0xFFFFF086  }
0x1c: {  	p1 =	slt.u32 s9, $0xF7A;
	s5 =	simm.s32 @!p2 $0x0  }
0x1d: {  	s5 =	simm.s32 @p1 $0x1;
	p0 =	seq.s32 s7, s2  }
0x1e: {  	s7 =	smul.u32 @!p0 $0xF7A, s2;
	p2 =	seq.s32 @!p0 s5, $0x0  }
0x1f: {  	s9 =	smul.u32 $0xF7A, s1;
	s8 =	simm.s32 @!p0 $0x1BF5;
	p2 =	por !p2, p0  }
0x20: {  	[sflag:s8] =	ssyncset.s32 @!p0 $0xFFFFF086;
	s6 =	sadd.s32 @!p0 s3, s7;
	s7 =	simm.s32 @!p0 $0x108  }
0x21: {  	s3 =	sadd.s32 s3, s9;
	s6 =	sadd.s32 @!p0 $0x88, s6;
	s7 =	simm.s32 @p2 $0x1082  }
0x22: {  	[simem:s7], [sflag:s8] =	dma.local @!p0 [hbm:s6], $0xF7A  }
0x23: {  	s9 =	sor.u32 $0xD0000000, s2;
	s6 =	simm.s32 $0x108;
	_ =	swait.ge @!p0 [sflag:s8], $0x0  }
0x24: {  	s3 =	sadd.s32 $0x88, s3;
	s6 =	simm.s32 @!p1 $0x1082;
	[sflag:s4] =	ssyncset.s32 $0xFFFFF086  }
0x25: {  	[simem:s6], [sflag:s4] =	dma.local [hbm:s3], $0xF7A  }
0x26: {  	[smem:$0x3F9D] =	sst s1;
	(tag) =	ssettag s2;
	_ =	strace s9  }
0x27: {  	s1 =	sld [smem:$0x3FAD]  }
0x28: {  	s2 =	sld [smem:$0x3FAE]  }
0x29: {  	s4 =	sld [smem:$0x3FB0]  }
0x2a: {  	p0 =	seq.s32 s5, $0x0;
	s5 =	sld [smem:$0x3FB1]  }
0x2b: {  	s6 =	sld [smem:$0x3FB2]  }
0x2c: {  	s7 =	sld [smem:$0x3FB3]  }
0x2d: {  	s3 =	simm.s32 $0x108;
	s8 =	sld [smem:$0x3FB4]  }
0x2e: {  	s3 =	simm.s32 @!p0 $0x1082;
	s9 =	sld [smem:$0x3FB5]  }
0x2f: {  	lr =	sadd.s32 s0, s3;
	s0 =	sld [smem:$0x3FAC]  }
0x30: {  	s3 =	sld [smem:$0x3FAF]  }
0x31: {  	[smem:$0x3FB8] =	sst s10  }
0x32: {  	s10 =	sld [smem:$0x3FB6];
	_ =	sdelay $0x3  }
0x33: {  	p0 =	seq.s32 s10, $0x1;
	s10 =	sld [smem:$0x3FB8];
	_ =	sdelay $0x3  }
0x34: {  	[smem:$0x3FB8] =	sst s10  }
0x35: {  	s10 =	sld [smem:$0x3FB7];
	_ =	sdelay $0x3  }
0x36: {  	p1 =	seq.s32 s10, $0x1;
	s10 =	sld [smem:$0x3FB8];
	_ =	sdelay $0x3  }
0x37: {  	[smem:$0x3FB8] =	sst s10  }
0x38: {  	s10 =	sld [smem:$0x3FB9]  }
0x39: {  	_ = 	snop;
	(pc) =	sbr.ind lr, $3  }
0x3a: {  	_ = 	snop  }
0x3b: {  	_ = 	snop  }
0x3c: {  	p2 =	seq.s32 s10, $0x1;
	s10 =	sld [smem:$0x3FB8]  }
0x3d: {  	_ =	shalt  }
0x3e: {  	_ =	shalt  }
0x3f: {  	_ =	shalt  }
0x40: {  	_ =	shalt  }
0x41: {  	_ =	shalt  }
0x42: {  	_ =	shalt  }
0x43: {  	_ =	shalt  }
0x44: {  	_ =	shalt  }
0x45: {  	_ =	shalt  }
0x46: {  	_ =	shalt  }
0x47: {  	_ =	shalt  }
0x48: {  	_ =	shalt  }
0x49: {  	_ =	shalt  }
0x4a: {  	_ =	shalt  }
0x4b: {  	_ =	shalt  }
0x4c: {  	_ =	shalt  }
0x4d: {  	_ =	shalt  }
0x4e: {  	_ =	shalt  }
0x4f: {  	_ =	shalt  }
0x50: {  	_ =	shalt  }
0x51: {  	_ =	shalt  }
0x52: {  	_ =	shalt  }
0x53: {  	_ =	shalt  }
0x54: {  	_ =	shalt  }
0x55: {  	_ =	shalt  }
0x56: {  	_ =	shalt  }
0x57: {  	_ =	shalt  }
0x58: {  	_ =	shalt  }
0x59: {  	_ =	shalt  }
0x5a: {  	_ =	shalt  }
0x5b: {  	_ =	shalt  }
0x5c: {  	_ =	shalt  }
0x5d: {  	_ =	shalt  }
0x5e: {  	_ =	shalt  }
0x5f: {  	_ =	shalt  }
0x60: {  	_ =	shalt  }
0x61: {  	_ =	shalt  }
0x62: {  	_ =	shalt  }
0x63: {  	_ =	shalt  }
0x64: {  	_ =	shalt  }
0x65: {  	_ =	shalt  }
0x66: {  	_ =	shalt  }
0x67: {  	_ =	shalt  }
0x68: {  	_ =	shalt  }
0x69: {  	_ =	shalt  }
0x6a: {  	_ =	shalt  }
0x6b: {  	_ =	shalt  }
0x6c: {  	_ =	shalt  }
0x6d: {  	_ =	shalt  }
0x6e: {  	_ =	shalt  }
0x6f: {  	_ =	shalt  }
0x70: {  	_ =	shalt  }
0x71: {  	_ =	shalt  }
0x72: {  	_ =	shalt  }
0x73: {  	_ =	shalt  }
0x74: {  	_ =	shalt  }
0x75: {  	_ =	shalt  }
0x76: {  	_ =	shalt  }
0x77: {  	_ =	shalt  }
0x78: {  	_ =	shalt  }
0x79: {  	_ =	shalt  }
0x7a: {  	_ =	shalt  }
0x7b: {  	_ =	shalt  }
0x7c: {  	_ =	shalt  }
0x7d: {  	_ =	shalt  }
0x7e: {  	_ =	shalt  }
0x7f: {  	_ =	shalt  }
0x80: {  	_ =	shalt  }
0x81: {  	_ =	shalt  }
0x82: {  	_ =	shalt  }
0x83: {  	_ =	shalt  }
0x84: {  	_ =	shalt  }
0x85: {  	_ =	shalt  }
0x86: {  	_ =	shalt  }
0x87: {  	_ =	shalt  }
.Lfunc_end0:
.L_simem_size_0:
called_computation_lowered:
.L_overlay_start_0:
0x88: {  	s2 =	sld [smem:$0x3FD9]  }
0x89: {  	s3 =	sld [smem:$0x3FFE];
	_ =	sdelay $0x1  }
0x8a: {  	s1 =	srdreg.scid  }
0x8b: {  	s0 =	sand.u32 $0x1, s1  }
0x8c: {  	s16 =	sshll.u32 s0, $0xA;
	s2 =	sadd.s32 s3, s2  }
0x8d: {  	s2 =	sadd.s32 s2, s16  }
0x8e: {  	[smem:$0x3FC4] =	sst s2  }
0x8f: {  	_ = 	snop  }
0x90: {  	(tm) =	ssettm $0x1  }
0x91: {  	s17 =	sld [smem:$0x3FFB];
	_ =	sdelay $0x3  }
0x92: {  	_ =	strace s17  }
0x93: {  	s2 =	sld [smem:$0x3FFC];
	_ =	sdelay $0x3  }
0x94: {  	_ =	strace s2  }
0x95: {  	s2 =	sld [smem:$0x3FFD];
	_ =	sdelay $0x3  }
0x96: {  	_ =	strace s2  }
0x97: {  	_ =	strace $0x8FFFFFFF  }
0x98: {  	s18 =	sld [smem:$0x3FDB];
	_ =	sdelay $0x1  }
0x99: {  	s19 =	simm.s32 $_scs_section_size  }
0x9a: {  	s4 =	simm.s32 $_size__tile_overlayer_lowered;
	s5 =	simm.s32 $_tile_overlayer_lowered  }
0x9b: {  	s22 =	simm.s32 $0x1BFF;
	s21 =	sshll.u32 s5, $0x1;
	s2 =	sadd.s32 s19, s18  }
0x9c: {  	s6 =	simm.s32 $0x0;
	s20 =	sshll.u32 s4, $0x1;
	s4 =	sadd.s32 s21, s2  }
0x9d: {  	[timem:s6], [sflag:s22] =	dma.local [hbm:s4], s20  }
0x9e: {  	_ =	swait.ge [sflag:s22], s20  }
0x9f: {  	s3 =	ssub.s32 $0x0, s20;
	[sflag:s22] =	ssyncset.done $0x0  }
0xa0: {  	[sflag:s22] =	ssyncadd.s32 s3;
	_ =	sdelay $0x1  }
0xa1: {  	s23 =	simm.s32 $0x1B8B  }
0xa2: {  	_ =	swait.ge [sflag:s23], $0x1  }
0xa3: {  	[sflag:s23] =	ssyncset.done $0x0  }
0xa4: {  	s25 =	simm.s32 $0x1B8E;
	s24 =	sld [smem:$0x3FFE];
	[sflag:s23] =	ssyncadd.s32 $0xFFFFFFFF  }
0xa5: {  	s26 =	simm.s32 $execute0_lowered;
	[smem:$0x3FD2] =	sst s25  }
0xa6: {  	s4 =	sshll.u32 s26, $0x1;
	_ =	strace $0x80000046;
	[dreg:$0x1] =	wrdreg $0xFFFFFFFF  }
0xa7: {  	s28 =	simm.s32 $_size_execute0_lowered;
	s2 =	sadd.s32 s2, s4;
	[dreg:$0x0] =	wrdreg $0x0  }
0xa8: {  	s4 =	sshll.u32 s28, $0x1;
	[dreg:$0x2] =	wrdreg s2  }
0xa9: {  	[dreg:$0x3] =	wrdreg s4  }
0xaa: {  	[dreg:$0x4] =	wrdreg $0xC0  }
0xab: {  	_ =	task [dreg:s6], $0x5FFFF  }
0xac: {  	[dreg:$0x1] =	wrdreg $0xFFFFFFFF  }
0xad: {  	[dreg:$0x0] =	wrdreg $0x60  }
0xae: {  	[dreg:$0x2] =	wrdreg s24  }
0xaf: {  	[dreg:$0x3] =	wrdreg $0x9  }
0xb0: {  	_ =	task.clear_ibuf [dreg:s6], $0x4FFFF;
	_ =	strace $0x90000046  }
0xb1: {  	s29 =	simm.s32 $0x9;
	_ =	strace $0x80000048  }
0xb2: {  	_ =	swait.ge [sflag:s29], $0x1  }
0xb3: {  	[sflag:s29] =	ssyncadd.s32 $0xFFFFFFFF  }
0xb4: {  	_ =	strace $0x90000048  }
0xb5: {  	_ =	sfence  }
0xb6: {  	s30 =	sld [smem:$0x0];
	_ =	sdelay $0x2  }
0xb7: {  	s31 =	sshll.u32 s1, $0xD;
	s1 =	sshrl.u32 s1, $0x2  }
0xb8: {  	s3 =	sand.u32 $0x4000, s31;
	s1 =	sadd.s32 s1, s30  }
0xb9: {  	s0 =	sor.u32 s3, s0;
	s1 =	sshll.u32 s1, $0x11  }
0xba: {  	s0 =	sor.u32 s1, s0  }
0xbb: {  	s0 =	sadd.s32 $0x8F2B, s0  }
0xbc: {  	[sflag:s0] =	ssyncadd.remote.s32 $0x1  }
0xbd: {  	_ =	sfence.sel $0xFFFF  }
0xbe: {  	[dreg:$0x0] =	wrdreg $0xFFFFFFFF;
	(pc) =	sbr.abs _section_cstart, $3  }
0xbf: {  	[dreg:$0x1] =	wrdreg $0xFFFFFFFF  }
0xc0: {  	_ =	task.clear_ibuf [dreg:s6], $0x2FFFF;
	_ =	strace $0x9FFFFFFF  }
0xc1: {  	(tm) =	ssettm $0x7FFFFFFF  }
tec
execute0_lowered:
.L_overlay_start_1:
0x0: {  	(tag) =	ssettag $0x1  }
0x1: {  	s1 =	srdreg.scid  }
0x2: {  	s0 =	stileid.u32;
	s4 =	rddreg [dreg:$0x0]  }
0x3: {  	s2 =	simm.s32 $0x0;
	s14 =	simm.s32 $0x1;
	s15 =	simm.s32 $0x3  }
0x4: {  	s16 =	simm.s32 $0x2;
	s17 =	simm.s32 $0x4;
	s11 =	smul.u32 $0x14000, s0  }
0x5: {  	s18 =	simm.s32 $0x0;
	s6 =	sand.u32 $0x1, s1;
	s28 =	smul.u32 $0xA0000, s0  }
0x6: {  	s3 =	sshll.u32 s0, $0x1;
	s1 =	rddreg [dreg:$0x1];
	s13 =	smul.u32 $0x50000, s6  }
0x7: {  	[smem:$0x7FF] =	sst s2;
	s5 =	sor.u32 s6, s3;
	s30 =	smul.u32 $0xA000, s6  }
0x8: {  	s12 =	sadd.s32 $0x3A00, s4;
	_ =	strace $0x80000047;
	s7 =	smul.u32 $0x140, s5  }
0x9: {  	s3 =	sadd.s32 $0xA00, s4;
	s9 =	ssub.s32 $0x2, s6;
	s8 =	smul.u32 $0x50000, s5  }
0xa: {  	s10 =	smul.u32 $0xA000, s5;
	s26 =	sshrl.u32 s9, $0x1;
	s31 =	sadd.s32 s11, s12  }
0xb: {  	s11 =	simm.s32 $0x80;
	s25 =	sadd.s32 s7, s4;
	s7 =	ssub.s32 s9, s26  }
0xc: {  	s8 =	sshrl.u32 s8, $0x3;
	s9 =	sadd.s32 s13, s28;
	s10 =	sadd.s32 s10, s12  }
0xd: {  	s13 =	simm.s32 $0x4A00;
	s4 =	sadd.s32 $0x1200, s25;
	s5 =	smax.u32 s7, $0x1  }
0xe: {  	s29 =	sadd.s32 s12, s8;
	s8 =	sadd.s32 s30, s31;
	s9 =	sshrl.u32 s9, $0x3  }
0xf: {  	s7 =	sadd.s32 $0x9800, s10;
	s10 =	simm.s32 $0x5;
	s6 =	sadd.s32 $0x9000, s29  }
0x10: {  	s8 =	sadd.s32 $0x800, s8;
	s9 =	sadd.s32 s9, s12;
	s12 =	simm.s32 $0xA00  }
.LBB2_1:
0x11: {  	[tilespmem:s2], [sflag:$0x5] =	stream.linear.gather [hbm4b:s4+s2], $0xA00, $0x38;
	[tilespmem:$0x8A00] =	vst v63  }
0x12: {  	_ =	swait.ge [sflag:s10], $0xA00  }
0x13: {  	[sflag:s10] =	ssyncset.done $0x0  }
0x14: {  	[sflag:s10] =	ssyncadd.s32 $0xFFFFF600  }
0x15: {  	[tilespmem:s12], [sflag:$0x1] =	stream.indirect.gather [hbm4b:s3+s11], $0x80, s2, s11, $0xb8;
	[tilespmem:$0x8A00] =	vst v63  }
0x16: {  	_ = 	snop  }
0x17: {  	[tilespmem:s13], [sflag:$0x2] =	stream.indirect.gather [hbm4b:s3+s11], $0x80, s11, s11, $0xb8;
	[tilespmem:$0x8A00] =	vst v63  }
0x18: {  	_ =	swait.ge [sflag:s14], $0x4000  }
0x19: {  	[sflag:s14] =	ssyncset.done $0x0  }
0x1a: {  	s19 =	sadd.s32 $0x0, s9;
	[sflag:s14] =	ssyncadd.s32 $0xFFFFC000  }
0x1b: {  	[hbm4b:s19+s2] =	stream.linear.scatter [tilespmem:s12], [sflag:$0x3], $0x4000, $0x38;
	[tilespmem:$0x8A00] =	vst v63  }
0x1c: {  	_ =	swait.ge [sflag:s15], $0x4000  }
0x1d: {  	[sflag:s15] =	ssyncset.done $0x0  }
0x1e: {  	s30 =	simm.s32 $0x100;
	[sflag:s15] =	ssyncadd.s32 $0xFFFFC000  }
0x1f: {  	[tilespmem:s12], [sflag:$0x1] =	stream.indirect.gather [hbm4b:s3+s11], $0x80, s30, s11, $0xb8;
	[tilespmem:$0x8A00] =	vst v63  }
0x20: {  	_ =	swait.ge [sflag:s16], $0x4000  }
0x21: {  	[sflag:s16] =	ssyncset.done $0x0  }
0x22: {  	s31 =	sadd.s32 $0x0, s8;
	[sflag:s16] =	ssyncadd.s32 $0xFFFFC000  }
0x23: {  	[hbm4b:s31+s2] =	stream.linear.scatter [tilespmem:s13], [sflag:$0x4], $0x4000, $0x38;
	[tilespmem:$0x8A00] =	vst v63  }
0x24: {  	_ =	swait.ge [sflag:s17], $0x4000  }
0x25: {  	s20 =	simm.s32 $0x1000;
	[sflag:s17] =	ssyncset.done $0x0  }
0x26: {  	s21 =	simm.s32 $0x280;
	s19 =	simm.s32 $0x180;
	[sflag:s17] =	ssyncadd.s32 $0xFFFFC000  }
.LBB2_2:
0x27: {  	[tilespmem:s13], [sflag:$0x2] =	stream.indirect.gather [hbm4b:s3+s11], $0x80, s19, s11, $0xb8;
	[tilespmem:$0x8A00] =	vst v63  }
0x28: {  	s22 =	smov.u32 s20;
	s19 =	smov.u32 s21  }
0x29: {  	p0 =	sne.s32 s20, $0x8000;
	s20 =	sadd.s32 $0x1000, s20;
	_ =	swait.ge [sflag:s14], $0x4000  }
0x2a: {  	[sflag:s14] =	ssyncset.done $0x0  }
0x2b: {  	s23 =	sadd.s32 s22, s9;
	[sflag:s14] =	ssyncadd.s32 $0xFFFFC000  }
0x2c: {  	[hbm4b:s23+s2] =	stream.linear.scatter [tilespmem:s12], [sflag:$0x3], $0x4000, $0x38;
	[tilespmem:$0x8A00] =	vst v63  }
0x2d: {  	_ =	swait.ge [sflag:s15], $0x4000  }
0x2e: {  	[sflag:s15] =	ssyncset.done $0x0  }
0x2f: {  	s23 =	sadd.s32 $0xFFFFFF80, s21;
	[sflag:s15] =	ssyncadd.s32 $0xFFFFC000  }
0x30: {  	[tilespmem:s12], [sflag:$0x1] =	stream.indirect.gather [hbm4b:s3+s11], $0x80, s23, s11, $0xb8;
	[tilespmem:$0x8A00] =	vst v63  }
0x31: {  	_ =	swait.ge [sflag:s16], $0x4000  }
0x32: {  	[sflag:s16] =	ssyncset.done $0x0  }
.Ltmp0:
0x33: {  	s22 =	sadd.s32 s22, s8;
	[sflag:s16] =	ssyncadd.s32 $0xFFFFC000;
	(pc) =	sbr.rel @p0 .LBB2_2-.Ltmp0, $4  }
0x34: {  	[hbm4b:s22+s2] =	stream.linear.scatter [tilespmem:s13], [sflag:$0x4], $0x4000, $0x38;
	[tilespmem:$0x8A00] =	vst v63  }
0x35: {  	_ =	swait.ge [sflag:s17], $0x4000  }
0x36: {  	[sflag:s17] =	ssyncset.done $0x0  }
0x37: {  	s21 =	sadd.s32 $0x100, s21;
	[sflag:s17] =	ssyncadd.s32 $0xFFFFC000  }
0x38: {  	[tilespmem:s13], [sflag:$0x2] =	stream.indirect.gather [hbm4b:s3+s11], $0x80, s19, s11, $0xb8;
	[tilespmem:$0x8A00] =	vst v63  }
0x39: {  	_ =	swait.ge [sflag:s14], $0x4000  }
0x3a: {  	[sflag:s14] =	ssyncset.done $0x0  }
0x3b: {  	[sflag:s14] =	ssyncadd.s32 $0xFFFFC000  }
0x3c: {  	[hbm4b:s6+s2] =	stream.linear.scatter [tilespmem:s12], [sflag:$0x3], $0x4000, $0x38;
	[tilespmem:$0x8A00] =	vst v63  }
0x3d: {  	_ =	swait.ge [sflag:s15], $0x4000  }
0x3e: {  	[sflag:s15] =	ssyncset.done $0x0  }
0x3f: {  	[sflag:s15] =	ssyncadd.s32 $0xFFFFC000  }
0x40: {  	[tilespmem:s12], [sflag:$0x1] =	stream.indirect.gather [hbm4b:s3+s11], $0x80, s2, s11, $0xb8;
	[tilespmem:$0x8A00] =	vst v63  }
0x41: {  	_ =	swait.ge [sflag:s16], $0x4000  }
0x42: {  	[sflag:s16] =	ssyncset.done $0x0  }
0x43: {  	[sflag:s16] =	ssyncadd.s32 $0xFFFFC000  }
0x44: {  	[hbm4b:s7+s2] =	stream.linear.scatter [tilespmem:s13], [sflag:$0x4], $0x4000, $0x38;
	[tilespmem:$0x8A00] =	vst v63  }
0x45: {  	_ =	swait.ge [sflag:s17], $0x4000  }
0x46: {  	[sflag:s17] =	ssyncset.done $0x0  }
0x47: {  	s18 =	sadd.s32 $0x1, s18;
	[sflag:s17] =	ssyncadd.s32 $0xFFFFC000  }
0x48: {  	[tilespmem:s13], [sflag:$0x2] =	stream.indirect.gather [hbm4b:s3+s11], $0x80, s11, s11, $0xb8;
	[tilespmem:$0x8A00] =	vst v63  }
0x49: {  	p0 =	sne.s32 s18, s5;
	_ =	swait.ge [sflag:s14], $0x4000  }
.Ltmp1:
0x4a: {  	[sflag:s14] =	ssyncset.done $0x0;
	(pc) =	sbr.rel @p0 .LBB2_1-.Ltmp1, $4  }
0x4b: {  	[sflag:s14] =	ssyncadd.s32 $0xFFFFC000  }
0x4c: {  	_ =	swait.ge [sflag:s16], $0x4000  }
0x4d: {  	[sflag:s16] =	ssyncset.done $0x0  }
0x4e: {  	[sflag:s16] =	ssyncadd.s32 $0xFFFFC000  }
0x4f: {  	_ =	sfence.sel $0x180000  }
0x50: {  	[bflag:$0x0] =	sbarrier.arrive $0xFFFF  }
0x51: {  	p0 =	sne.s32 s0, $0x0;
	_ =	strace $0x90000047  }
0x52: {  	s0 =	sadd.s32 @!p0 $0x100000, s1;
	[bflag:$0x2] =	sbarrier.arrive $0xFFFF  }
0x53: {  	[sflag:s0] =	ssyncadd.tile.s32 @!p0 $0x1;
	_ =	shalt  }
.Lfunc_end2:
_tile_overlayer_lowered:
.L_overlay_start_2:
0x54: {  	(tag) =	ssettag $0x2  }
0x55: {  	s0 =	rddreg [dreg:$0x0];
	s2 =	stileid.u32  }
0x56: {  	s1 =	rddreg [dreg:$0x1];
	p0 =	sne.s32 s2, $0x0  }
0x57: {  	s3 =	rddreg [dreg:$0x2];
	[bflag:$0x3] =	sbarrier.arrive $0xFFFF;
	s2 =	simm.s32 @!p0 $0x1C05  }
0x58: {  	[timem:s3], [sflag:s2] =	dma.local @!p0 [hbm:s0], s1  }
0x59: {  	s0 =	simm.s32 @!p0 $0x5  }
0x5a: {  	_ =	swait.ge @!p0 [sflag:s0], s1  }
0x5b: {  	s1 =	ssub.s32 @!p0 $0x0, s1;
	[sflag:s0] =	ssyncset.done @!p0 $0x0  }
0x5c: {  	[sflag:s0] =	ssyncadd.s32 @!p0 s1  }
0x5d: {  	[bflag:$0x3] =	sbarrier.arrive $0xFFFF  }
0x5e: {  	_ =	shalt  }

</sc_bundles>
